<compile_context>
chip_gen: v7x
topology: tpu7x:2x2x1
jax: 0.10.2.dev20260603
libtpu: 0.0.44.dev20260713+nightly
codegen_flags: <defaults>
</compile_context>

<pallas_src>
import jax
import jax.numpy as jnp
from jax import lax
from jax.experimental import pallas as pl
from jax.experimental.pallas import tpu as pltpu
from jax.experimental.pallas import tpu_sc as plsc

_BATCH = 16384
_NUM_DOMAINS = 100
_LANES = 16
_NUM_CORES = 1
_NUM_SUBCORES = 16
_NUM_WORKERS = _NUM_CORES * _NUM_SUBCORES
_CHUNK = _BATCH // _NUM_WORKERS


_HALF = _CHUNK // 2
_WPAD = 112


def _sc_body(idx_hbm, x_hbm, w_hbm, out_hbm, idx_v, x_v, w_v, out_v,
             sem_a, sem_b, sem_o):
    base = lax.axis_index("s") * _CHUNK
    lo, hi = pl.ds(0, _HALF), pl.ds(_HALF, _HALF)
    cw = pltpu.async_copy(w_hbm, w_v.at[pl.ds(0, _NUM_DOMAINS)], sem_a)
    ci0 = pltpu.async_copy(idx_hbm.at[pl.ds(base, _HALF)], idx_v.at[lo], sem_a)
    cx0 = pltpu.async_copy(x_hbm.at[pl.ds(base, _HALF)], x_v.at[lo], sem_a)
    ci1 = pltpu.async_copy(
        idx_hbm.at[pl.ds(base + _HALF, _HALF)], idx_v.at[hi], sem_b)
    cx1 = pltpu.async_copy(
        x_hbm.at[pl.ds(base + _HALF, _HALF)], x_v.at[hi], sem_b)
    cw.wait()
    ci0.wait()
    cx0.wait()
    zero = jnp.zeros((_LANES,), jnp.float32)
    for j in range(_WPAD // _LANES):
        sl = pl.ds(j * _LANES, _LANES)
        w_v[sl] = jnp.maximum(w_v[sl], zero)
    @plsc.parallel_loop(0, _HALF, _LANES, unroll=4)
    def _first_half(i):
        sl = pl.ds(i, _LANES)
        out_v[sl] = x_v[sl] * plsc.load_gather(w_v, [idx_v[sl]])

    co0 = pltpu.async_copy(out_v.at[lo], out_hbm.at[pl.ds(base, _HALF)], sem_o)
    ci1.wait()
    cx1.wait()

    @plsc.parallel_loop(_HALF, _CHUNK, _LANES, unroll=4)
    def _second_half(i):
        sl = pl.ds(i, _LANES)
        out_v[sl] = x_v[sl] * plsc.load_gather(w_v, [idx_v[sl]])
    co1 = pltpu.async_copy(
        out_v.at[hi], out_hbm.at[pl.ds(base + _HALF, _HALF)], sem_o)
    co0.wait()
    co1.wait()


def kernel(idxes, x, raw_weights):
    idxes = idxes.astype(jnp.int32)
    x_flat = x.reshape(-1)
    mesh = plsc.VectorSubcoreMesh(
        core_axis_name="c", subcore_axis_name="s", num_cores=_NUM_CORES
    )
    out = pl.kernel(
        _sc_body,
        out_type=jax.ShapeDtypeStruct((_BATCH,), jnp.float32),
        mesh=mesh,
        compiler_params=pltpu.CompilerParams(needs_layout_passes=False),
        scratch_types=[
            pltpu.VMEM((_CHUNK,), jnp.int32),
            pltpu.VMEM((_CHUNK,), jnp.float32),
            pltpu.VMEM((_WPAD,), jnp.float32),
            pltpu.VMEM((_CHUNK,), jnp.float32),
            pltpu.SemaphoreType.DMA,
            pltpu.SemaphoreType.DMA,
            pltpu.SemaphoreType.DMA,
        ],
    )(idxes, x_flat, raw_weights)
    return out.reshape(_BATCH, 1)

# --- scband reference (transcript-rebuilt; emitter-appended) ---
"""Pipeline reference for scband-instance-table-34780645163294 (READ-ONLY COPY).

The authoritative reference and input builder live on the scoring server;
editing this copy changes nothing except your own understanding.
"""

import jax, jax.numpy as jnp
import numpy as np

BATCH = 16384
NUM_DOMAINS = 100
INITIALIZATION = 1.0

def setup_inputs(seed: int = 0) -> dict:
    key = jax.random.key(seed)
    k1, k2 = jax.random.split(key)
    idxes = jax.random.randint(k1, (BATCH,), 0, NUM_DOMAINS).astype(jnp.int64) if jax.config.jax_enable_x64 else jax.random.randint(k1, (BATCH,), 0, NUM_DOMAINS)
    x = jax.random.normal(k2, (BATCH, 1), dtype=jnp.float32)
    # learned parameter: raw_weights initialized to `initialization` (as in torch module)
    raw_weights = jnp.ones((NUM_DOMAINS,), dtype=jnp.float32) * INITIALIZATION
    return {"idxes": idxes, "x": x, "raw_weights": raw_weights}

def reference(idxes, x, raw_weights):
    # activation_function == 'ReLU'
    positive_weights = jax.nn.relu(raw_weights)
    # string->index mapping is precomputed: idxes already hold domain indices
    domain_weights = jnp.take(positive_weights, idxes, axis=0)
    domain_weights = domain_weights.reshape(-1, 1)
    out = x * domain_weights
    return out

if __name__ == "__main__":
    import jax
    _d = setup_inputs()
    print(jax.jit(kernel)(*tuple(_d.values())))

</pallas_src>

<mosaic_0001>
#map = affine_map<(d0, d1) -> (0)>
module attributes {stable_mosaic.version = 14 : i64} {
  func.func @_sc_body(%arg0: i32, %arg1: i32, %arg2: memref<16384xi32, #tpu.memory_space<hbm>>, %arg3: memref<16384xf32, #tpu.memory_space<hbm>>, %arg4: memref<100xf32, #tpu.memory_space<hbm>>, %arg5: memref<16384xf32, #tpu.memory_space<hbm>>, %arg6: memref<1024xi32, #tpu.memory_space<vmem>>, %arg7: memref<1024xf32, #tpu.memory_space<vmem>>, %arg8: memref<112xf32, #tpu.memory_space<vmem>>, %arg9: memref<1024xf32, #tpu.memory_space<vmem>>, %arg10: memref<!tpu.dma_semaphore, #tpu.memory_space<semaphore_mem>>, %arg11: memref<!tpu.dma_semaphore, #tpu.memory_space<semaphore_mem>>, %arg12: memref<!tpu.dma_semaphore, #tpu.memory_space<semaphore_mem>>) attributes {dimension_semantics = [#tpu.dimension_semantics<core_parallel>, #tpu.dimension_semantics<subcore_parallel>], iteration_bounds = array<i64: 1, 16>, scalar_prefetch = 0 : i64, scratch_operands = 7 : i64, tpu.core_type = #tpu.core_type<sc_vector_subcore>, window_params = [{transform_indices = #map}, {transform_indices = #map}, {transform_indices = #map}, {transform_indices = #map}]} {
    %mul3A = arith.constant 1024 : i32
    %mul3A_0 = arith.muli %arg1, %mul3A : i32
    %dma_start3A = arith.constant 0 : i32
    %dma_start3A_1 = tpu.memref_slice %arg8[%dma_start3A] : memref<112xf32, #tpu.memory_space<vmem>> -> memref<100xf32, #tpu.memory_space<vmem>>
    %dma_start3A_2 = arith.constant 0 : i32
    %dma_start3A_3 = tpu.memref_slice %arg8[%dma_start3A_2] : memref<112xf32, #tpu.memory_space<vmem>> -> memref<100xf32, #tpu.memory_space<vmem>>
    tpu.enqueue_dma source(%arg4 : memref<100xf32, #tpu.memory_space<hbm>>) target(%dma_start3A_3 : memref<100xf32, #tpu.memory_space<vmem>>) target_semaphore(%arg10 : memref<!tpu.dma_semaphore, #tpu.memory_space<semaphore_mem>>)
    %dma_start3A_4 = arith.constant 0 : i32
    %dma_start3A_5 = tpu.memref_slice %arg6[%dma_start3A_4] : memref<1024xi32, #tpu.memory_space<vmem>> -> memref<512xi32, #tpu.memory_space<vmem>>
    %dma_start3A_6 = tpu.memref_slice %arg2[%mul3A_0] : memref<16384xi32, #tpu.memory_space<hbm>> -> memref<512xi32, #tpu.memory_space<hbm>>
    %dma_start3A_7 = arith.constant 0 : i32
    %dma_start3A_8 = tpu.memref_slice %arg6[%dma_start3A_7] : memref<1024xi32, #tpu.memory_space<vmem>> -> memref<512xi32, #tpu.memory_space<vmem>>
    %dma_start3A_9 = tpu.memref_slice %arg2[%mul3A_0] : memref<16384xi32, #tpu.memory_space<hbm>> -> memref<512xi32, #tpu.memory_space<hbm>>
    tpu.enqueue_dma source(%dma_start3A_9 : memref<512xi32, #tpu.memory_space<hbm>>) target(%dma_start3A_8 : memref<512xi32, #tpu.memory_space<vmem>>) target_semaphore(%arg10 : memref<!tpu.dma_semaphore, #tpu.memory_space<semaphore_mem>>)
    %dma_start3A_10 = arith.constant 0 : i32
    %dma_start3A_11 = tpu.memref_slice %arg7[%dma_start3A_10] : memref<1024xf32, #tpu.memory_space<vmem>> -> memref<512xf32, #tpu.memory_space<vmem>>
    %dma_start3A_12 = tpu.memref_slice %arg3[%mul3A_0] : memref<16384xf32, #tpu.memory_space<hbm>> -> memref<512xf32, #tpu.memory_space<hbm>>
    %dma_start3A_13 = arith.constant 0 : i32
    %dma_start3A_14 = tpu.memref_slice %arg7[%dma_start3A_13] : memref<1024xf32, #tpu.memory_space<vmem>> -> memref<512xf32, #tpu.memory_space<vmem>>
    %dma_start3A_15 = tpu.memref_slice %arg3[%mul3A_0] : memref<16384xf32, #tpu.memory_space<hbm>> -> memref<512xf32, #tpu.memory_space<hbm>>
    tpu.enqueue_dma source(%dma_start3A_15 : memref<512xf32, #tpu.memory_space<hbm>>) target(%dma_start3A_14 : memref<512xf32, #tpu.memory_space<vmem>>) target_semaphore(%arg10 : memref<!tpu.dma_semaphore, #tpu.memory_space<semaphore_mem>>)
    %add3A = arith.constant 512 : i32
    %add3A_16 = arith.addi %mul3A_0, %add3A : i32
    %dma_start3A_17 = arith.constant 512 : i32
    %dma_start3A_18 = tpu.memref_slice %arg6[%dma_start3A_17] : memref<1024xi32, #tpu.memory_space<vmem>> -> memref<512xi32, #tpu.memory_space<vmem>>
    %dma_start3A_19 = tpu.memref_slice %arg2[%add3A_16] : memref<16384xi32, #tpu.memory_space<hbm>> -> memref<512xi32, #tpu.memory_space<hbm>>
    %dma_start3A_20 = arith.constant 512 : i32
    %dma_start3A_21 = tpu.memref_slice %arg6[%dma_start3A_20] : memref<1024xi32, #tpu.memory_space<vmem>> -> memref<512xi32, #tpu.memory_space<vmem>>
    %dma_start3A_22 = tpu.memref_slice %arg2[%add3A_16] : memref<16384xi32, #tpu.memory_space<hbm>> -> memref<512xi32, #tpu.memory_space<hbm>>
    tpu.enqueue_dma source(%dma_start3A_22 : memref<512xi32, #tpu.memory_space<hbm>>) target(%dma_start3A_21 : memref<512xi32, #tpu.memory_space<vmem>>) target_semaphore(%arg11 : memref<!tpu.dma_semaphore, #tpu.memory_space<semaphore_mem>>)
    %add3A_23 = arith.constant 512 : i32
    %add3A_24 = arith.addi %mul3A_0, %add3A_23 : i32
    %dma_start3A_25 = arith.constant 512 : i32
    %dma_start3A_26 = tpu.memref_slice %arg7[%dma_start3A_25] : memref<1024xf32, #tpu.memory_space<vmem>> -> memref<512xf32, #tpu.memory_space<vmem>>
    %dma_start3A_27 = tpu.memref_slice %arg3[%add3A_24] : memref<16384xf32, #tpu.memory_space<hbm>> -> memref<512xf32, #tpu.memory_space<hbm>>
    %dma_start3A_28 = arith.constant 512 : i32
    %dma_start3A_29 = tpu.memref_slice %arg7[%dma_start3A_28] : memref<1024xf32, #tpu.memory_space<vmem>> -> memref<512xf32, #tpu.memory_space<vmem>>
    %dma_start3A_30 = tpu.memref_slice %arg3[%add3A_24] : memref<16384xf32, #tpu.memory_space<hbm>> -> memref<512xf32, #tpu.memory_space<hbm>>
    tpu.enqueue_dma source(%dma_start3A_30 : memref<512xf32, #tpu.memory_space<hbm>>) target(%dma_start3A_29 : memref<512xf32, #tpu.memory_space<vmem>>) target_semaphore(%arg11 : memref<!tpu.dma_semaphore, #tpu.memory_space<semaphore_mem>>)
    %dma_wait3A = arith.constant 0 : i32
    %dma_wait3A_31 = tpu.memref_slice %arg8[%dma_wait3A] : memref<112xf32, #tpu.memory_space<vmem>> -> memref<100xf32, #tpu.memory_space<vmem>>
    %dma_wait3A_32 = arith.constant 0 : i32
    %dma_wait3A_33 = tpu.memref_slice %arg8[%dma_wait3A_32] : memref<112xf32, #tpu.memory_space<vmem>> -> memref<100xf32, #tpu.memory_space<vmem>>
    tpu.wait_dma2 semaphore(%arg10 : memref<!tpu.dma_semaphore, #tpu.memory_space<semaphore_mem>>) src(%arg4 : memref<100xf32, #tpu.memory_space<hbm>>) dst(%dma_wait3A_33 : memref<100xf32, #tpu.memory_space<vmem>>)
    %dma_wait3A_34 = arith.constant 0 : i32
    %dma_wait3A_35 = tpu.memref_slice %arg6[%dma_wait3A_34] : memref<1024xi32, #tpu.memory_space<vmem>> -> memref<512xi32, #tpu.memory_space<vmem>>
    %dma_wait3A_36 = tpu.memref_slice %arg2[%mul3A_0] : memref<16384xi32, #tpu.memory_space<hbm>> -> memref<512xi32, #tpu.memory_space<hbm>>
    %dma_wait3A_37 = arith.constant 0 : i32
    %dma_wait3A_38 = tpu.memref_slice %arg6[%dma_wait3A_37] : memref<1024xi32, #tpu.memory_space<vmem>> -> memref<512xi32, #tpu.memory_space<vmem>>
    %dma_wait3A_39 = tpu.memref_slice %arg2[%mul3A_0] : memref<16384xi32, #tpu.memory_space<hbm>> -> memref<512xi32, #tpu.memory_space<hbm>>
    tpu.wait_dma2 semaphore(%arg10 : memref<!tpu.dma_semaphore, #tpu.memory_space<semaphore_mem>>) src(%dma_wait3A_39 : memref<512xi32, #tpu.memory_space<hbm>>) dst(%dma_wait3A_38 : memref<512xi32, #tpu.memory_space<vmem>>)
    %dma_wait3A_40 = arith.constant 0 : i32
    %dma_wait3A_41 = tpu.memref_slice %arg7[%dma_wait3A_40] : memref<1024xf32, #tpu.memory_space<vmem>> -> memref<512xf32, #tpu.memory_space<vmem>>
    %dma_wait3A_42 = tpu.memref_slice %arg3[%mul3A_0] : memref<16384xf32, #tpu.memory_space<hbm>> -> memref<512xf32, #tpu.memory_space<hbm>>
    %dma_wait3A_43 = arith.constant 0 : i32
    %dma_wait3A_44 = tpu.memref_slice %arg7[%dma_wait3A_43] : memref<1024xf32, #tpu.memory_space<vmem>> -> memref<512xf32, #tpu.memory_space<vmem>>
    %dma_wait3A_45 = tpu.memref_slice %arg3[%mul3A_0] : memref<16384xf32, #tpu.memory_space<hbm>> -> memref<512xf32, #tpu.memory_space<hbm>>
    tpu.wait_dma2 semaphore(%arg10 : memref<!tpu.dma_semaphore, #tpu.memory_space<semaphore_mem>>) src(%dma_wait3A_45 : memref<512xf32, #tpu.memory_space<hbm>>) dst(%dma_wait3A_44 : memref<512xf32, #tpu.memory_space<vmem>>)
    %broadcast_in_dim3A = arith.constant 0.000000e+00 : f32
    %broadcast_in_dim3A_46 = vector.broadcast %broadcast_in_dim3A : f32 to vector<16xf32>
    %get3A = arith.constant 0 : index
    %get3A_47 = tpu.vector_load %arg8[%get3A] {strides = array<i32>} : memref<112xf32, #tpu.memory_space<vmem>>, vector<16xf32>,
    %max3A = arith.maximumf %get3A_47, %broadcast_in_dim3A_46 : vector<16xf32>
    %swap3A = arith.constant 0 : index
    %swap3A_48 = tpu.vector_load %arg8[%swap3A] {strides = array<i32>} : memref<112xf32, #tpu.memory_space<vmem>>, vector<16xf32>,
    tpu.vector_store %arg8[%swap3A], %max3A {strides = array<i32>} : memref<112xf32, #tpu.memory_space<vmem>>, vector<16xf32>,
    %get3A_49 = arith.constant 16 : index
    %get3A_50 = tpu.vector_load %arg8[%get3A_49] {strides = array<i32>} : memref<112xf32, #tpu.memory_space<vmem>>, vector<16xf32>,
    %max3A_51 = arith.maximumf %get3A_50, %broadcast_in_dim3A_46 : vector<16xf32>
    %swap3A_52 = arith.constant 16 : index
    %swap3A_53 = tpu.vector_load %arg8[%swap3A_52] {strides = array<i32>} : memref<112xf32, #tpu.memory_space<vmem>>, vector<16xf32>,
    tpu.vector_store %arg8[%swap3A_52], %max3A_51 {strides = array<i32>} : memref<112xf32, #tpu.memory_space<vmem>>, vector<16xf32>,
    %get3A_54 = arith.constant 32 : index
    %get3A_55 = tpu.vector_load %arg8[%get3A_54] {strides = array<i32>} : memref<112xf32, #tpu.memory_space<vmem>>, vector<16xf32>,
    %max3A_56 = arith.maximumf %get3A_55, %broadcast_in_dim3A_46 : vector<16xf32>
    %swap3A_57 = arith.constant 32 : index
    %swap3A_58 = tpu.vector_load %arg8[%swap3A_57] {strides = array<i32>} : memref<112xf32, #tpu.memory_space<vmem>>, vector<16xf32>,
    tpu.vector_store %arg8[%swap3A_57], %max3A_56 {strides = array<i32>} : memref<112xf32, #tpu.memory_space<vmem>>, vector<16xf32>,
    %get3A_59 = arith.constant 48 : index
    %get3A_60 = tpu.vector_load %arg8[%get3A_59] {strides = array<i32>} : memref<112xf32, #tpu.memory_space<vmem>>, vector<16xf32>,
    %max3A_61 = arith.maximumf %get3A_60, %broadcast_in_dim3A_46 : vector<16xf32>
    %swap3A_62 = arith.constant 48 : index
    %swap3A_63 = tpu.vector_load %arg8[%swap3A_62] {strides = array<i32>} : memref<112xf32, #tpu.memory_space<vmem>>, vector<16xf32>,
    tpu.vector_store %arg8[%swap3A_62], %max3A_61 {strides = array<i32>} : memref<112xf32, #tpu.memory_space<vmem>>, vector<16xf32>,
    %get3A_64 = arith.constant 64 : index
    %get3A_65 = tpu.vector_load %arg8[%get3A_64] {strides = array<i32>} : memref<112xf32, #tpu.memory_space<vmem>>, vector<16xf32>,
    %max3A_66 = arith.maximumf %get3A_65, %broadcast_in_dim3A_46 : vector<16xf32>
    %swap3A_67 = arith.constant 64 : index
    %swap3A_68 = tpu.vector_load %arg8[%swap3A_67] {strides = array<i32>} : memref<112xf32, #tpu.memory_space<vmem>>, vector<16xf32>,
    tpu.vector_store %arg8[%swap3A_67], %max3A_66 {strides = array<i32>} : memref<112xf32, #tpu.memory_space<vmem>>, vector<16xf32>,
    %get3A_69 = arith.constant 80 : index
    %get3A_70 = tpu.vector_load %arg8[%get3A_69] {strides = array<i32>} : memref<112xf32, #tpu.memory_space<vmem>>, vector<16xf32>,
    %max3A_71 = arith.maximumf %get3A_70, %broadcast_in_dim3A_46 : vector<16xf32>
    %swap3A_72 = arith.constant 80 : index
    %swap3A_73 = tpu.vector_load %arg8[%swap3A_72] {strides = array<i32>} : memref<112xf32, #tpu.memory_space<vmem>>, vector<16xf32>,
    tpu.vector_store %arg8[%swap3A_72], %max3A_71 {strides = array<i32>} : memref<112xf32, #tpu.memory_space<vmem>>, vector<16xf32>,
    %get3A_74 = arith.constant 96 : index
    %get3A_75 = tpu.vector_load %arg8[%get3A_74] {strides = array<i32>} : memref<112xf32, #tpu.memory_space<vmem>>, vector<16xf32>,
    %max3A_76 = arith.maximumf %get3A_75, %broadcast_in_dim3A_46 : vector<16xf32>
    %swap3A_77 = arith.constant 96 : index
    %swap3A_78 = tpu.vector_load %arg8[%swap3A_77] {strides = array<i32>} : memref<112xf32, #tpu.memory_space<vmem>>, vector<16xf32>,
    tpu.vector_store %arg8[%swap3A_77], %max3A_76 {strides = array<i32>} : memref<112xf32, #tpu.memory_space<vmem>>, vector<16xf32>,
    %parallel_loop3A = arith.constant 0 : i32
    %parallel_loop3A_79 = arith.constant 512 : i32
    %parallel_loop3A_80 = arith.constant 16 : i32
    scf.for %parallel_loop3A_122 = %parallel_loop3A to %parallel_loop3A_79 step %parallel_loop3A_80  : i32 {
      %parallel_loop3A_123 = arith.index_cast %parallel_loop3A_122 : i32 to index
      %parallel_loop3A_124 = tpu.vector_load %arg7[%parallel_loop3A_123] {strides = array<i32>} : memref<1024xf32, #tpu.memory_space<vmem>>, vector<16xf32>,
      %parallel_loop3A_125 = arith.index_cast %parallel_loop3A_122 : i32 to index
      %parallel_loop3A_126 = tpu.vector_load %arg6[%parallel_loop3A_125] {strides = array<i32>} : memref<1024xi32, #tpu.memory_space<vmem>>, vector<16xi32>,
      %parallel_loop3A_127 = tpu.vector_load_idx %arg8[%parallel_loop3A_126] : memref<112xf32, #tpu.memory_space<vmem>>[vector<16xi32>], vector<16xf32>,
      %parallel_loop3A_128 = arith.mulf %parallel_loop3A_124, %parallel_loop3A_127 : vector<16xf32>
      %parallel_loop3A_129 = arith.index_cast %parallel_loop3A_122 : i32 to index
      %parallel_loop3A_130 = tpu.vector_load %arg9[%parallel_loop3A_129] {strides = array<i32>} : memref<1024xf32, #tpu.memory_space<vmem>>, vector<16xf32>,
      tpu.vector_store %arg9[%parallel_loop3A_129], %parallel_loop3A_128 {strides = array<i32>} : memref<1024xf32, #tpu.memory_space<vmem>>, vector<16xf32>,
    } {sc.loop_unroll_factor = 4 : i64, sc.parallel_access}
    %dma_start3A_81 = arith.constant 0 : i32
    %dma_start3A_82 = tpu.memref_slice %arg9[%dma_start3A_81] : memref<1024xf32, #tpu.memory_space<vmem>> -> memref<512xf32, #tpu.memory_space<vmem>>
    %dma_start3A_83 = tpu.memref_slice %arg5[%mul3A_0] : memref<16384xf32, #tpu.memory_space<hbm>> -> memref<512xf32, #tpu.memory_space<hbm>>
    %dma_start3A_84 = tpu.memref_slice %arg5[%mul3A_0] : memref<16384xf32, #tpu.memory_space<hbm>> -> memref<512xf32, #tpu.memory_space<hbm>>
    %dma_start3A_85 = arith.constant 0 : i32
    %dma_start3A_86 = tpu.memref_slice %arg9[%dma_start3A_85] : memref<1024xf32, #tpu.memory_space<vmem>> -> memref<512xf32, #tpu.memory_space<vmem>>
    tpu.enqueue_dma source(%dma_start3A_86 : memref<512xf32, #tpu.memory_space<vmem>>) target(%dma_start3A_84 : memref<512xf32, #tpu.memory_space<hbm>>) target_semaphore(%arg12 : memref<!tpu.dma_semaphore, #tpu.memory_space<semaphore_mem>>)
    %dma_wait3A_87 = arith.constant 512 : i32
    %dma_wait3A_88 = tpu.memref_slice %arg6[%dma_wait3A_87] : memref<1024xi32, #tpu.memory_space<vmem>> -> memref<512xi32, #tpu.memory_space<vmem>>
    %dma_wait3A_89 = tpu.memref_slice %arg2[%add3A_16] : memref<16384xi32, #tpu.memory_space<hbm>> -> memref<512xi32, #tpu.memory_space<hbm>>
    %dma_wait3A_90 = arith.constant 512 : i32
    %dma_wait3A_91 = tpu.memref_slice %arg6[%dma_wait3A_90] : memref<1024xi32, #tpu.memory_space<vmem>> -> memref<512xi32, #tpu.memory_space<vmem>>
    %dma_wait3A_92 = tpu.memref_slice %arg2[%add3A_16] : memref<16384xi32, #tpu.memory_space<hbm>> -> memref<512xi32, #tpu.memory_space<hbm>>
    tpu.wait_dma2 semaphore(%arg11 : memref<!tpu.dma_semaphore, #tpu.memory_space<semaphore_mem>>) src(%dma_wait3A_92 : memref<512xi32, #tpu.memory_space<hbm>>) dst(%dma_wait3A_91 : memref<512xi32, #tpu.memory_space<vmem>>)
    %dma_wait3A_93 = arith.constant 512 : i32
    %dma_wait3A_94 = tpu.memref_slice %arg7[%dma_wait3A_93] : memref<1024xf32, #tpu.memory_space<vmem>> -> memref<512xf32, #tpu.memory_space<vmem>>
    %dma_wait3A_95 = tpu.memref_slice %arg3[%add3A_24] : memref<16384xf32, #tpu.memory_space<hbm>> -> memref<512xf32, #tpu.memory_space<hbm>>
    %dma_wait3A_96 = arith.constant 512 : i32
    %dma_wait3A_97 = tpu.memref_slice %arg7[%dma_wait3A_96] : memref<1024xf32, #tpu.memory_space<vmem>> -> memref<512xf32, #tpu.memory_space<vmem>>
    %dma_wait3A_98 = tpu.memref_slice %arg3[%add3A_24] : memref<16384xf32, #tpu.memory_space<hbm>> -> memref<512xf32, #tpu.memory_space<hbm>>
    tpu.wait_dma2 semaphore(%arg11 : memref<!tpu.dma_semaphore, #tpu.memory_space<semaphore_mem>>) src(%dma_wait3A_98 : memref<512xf32, #tpu.memory_space<hbm>>) dst(%dma_wait3A_97 : memref<512xf32, #tpu.memory_space<vmem>>)
    %parallel_loop3A_99 = arith.constant 512 : i32
    %parallel_loop3A_100 = arith.constant 1024 : i32
    %parallel_loop3A_101 = arith.constant 16 : i32
    scf.for %parallel_loop3A_122 = %parallel_loop3A_99 to %parallel_loop3A_100 step %parallel_loop3A_101  : i32 {
      %parallel_loop3A_123 = arith.index_cast %parallel_loop3A_122 : i32 to index
      %parallel_loop3A_124 = tpu.vector_load %arg7[%parallel_loop3A_123] {strides = array<i32>} : memref<1024xf32, #tpu.memory_space<vmem>>, vector<16xf32>,
      %parallel_loop3A_125 = arith.index_cast %parallel_loop3A_122 : i32 to index
      %parallel_loop3A_126 = tpu.vector_load %arg6[%parallel_loop3A_125] {strides = array<i32>} : memref<1024xi32, #tpu.memory_space<vmem>>, vector<16xi32>,
      %parallel_loop3A_127 = tpu.vector_load_idx %arg8[%parallel_loop3A_126] : memref<112xf32, #tpu.memory_space<vmem>>[vector<16xi32>], vector<16xf32>,
      %parallel_loop3A_128 = arith.mulf %parallel_loop3A_124, %parallel_loop3A_127 : vector<16xf32>
      %parallel_loop3A_129 = arith.index_cast %parallel_loop3A_122 : i32 to index
      %parallel_loop3A_130 = tpu.vector_load %arg9[%parallel_loop3A_129] {strides = array<i32>} : memref<1024xf32, #tpu.memory_space<vmem>>, vector<16xf32>,
      tpu.vector_store %arg9[%parallel_loop3A_129], %parallel_loop3A_128 {strides = array<i32>} : memref<1024xf32, #tpu.memory_space<vmem>>, vector<16xf32>,
    } {sc.loop_unroll_factor = 4 : i64, sc.parallel_access}
    %add3A_102 = arith.constant 512 : i32
    %add3A_103 = arith.addi %mul3A_0, %add3A_102 : i32
    %dma_start3A_104 = arith.constant 512 : i32
    %dma_start3A_105 = tpu.memref_slice %arg9[%dma_start3A_104] : memref<1024xf32, #tpu.memory_space<vmem>> -> memref<512xf32, #tpu.memory_space<vmem>>
    %dma_start3A_106 = tpu.memref_slice %arg5[%add3A_103] : memref<16384xf32, #tpu.memory_space<hbm>> -> memref<512xf32, #tpu.memory_space<hbm>>
    %dma_start3A_107 = tpu.memref_slice %arg5[%add3A_103] : memref<16384xf32, #tpu.memory_space<hbm>> -> memref<512xf32, #tpu.memory_space<hbm>>
    %dma_start3A_108 = arith.constant 512 : i32
    %dma_start3A_109 = tpu.memref_slice %arg9[%dma_start3A_108] : memref<1024xf32, #tpu.memory_space<vmem>> -> memref<512xf32, #tpu.memory_space<vmem>>
    tpu.enqueue_dma source(%dma_start3A_109 : memref<512xf32, #tpu.memory_space<vmem>>) target(%dma_start3A_107 : memref<512xf32, #tpu.memory_space<hbm>>) target_semaphore(%arg12 : memref<!tpu.dma_semaphore, #tpu.memory_space<semaphore_mem>>)
    %dma_wait3A_110 = arith.constant 0 : i32
    %dma_wait3A_111 = tpu.memref_slice %arg9[%dma_wait3A_110] : memref<1024xf32, #tpu.memory_space<vmem>> -> memref<512xf32, #tpu.memory_space<vmem>>
    %dma_wait3A_112 = tpu.memref_slice %arg5[%mul3A_0] : memref<16384xf32, #tpu.memory_space<hbm>> -> memref<512xf32, #tpu.memory_space<hbm>>
    %dma_wait3A_113 = tpu.memref_slice %arg5[%mul3A_0] : memref<16384xf32, #tpu.memory_space<hbm>> -> memref<512xf32, #tpu.memory_space<hbm>>
    %dma_wait3A_114 = arith.constant 0 : i32
    %dma_wait3A_115 = tpu.memref_slice %arg9[%dma_wait3A_114] : memref<1024xf32, #tpu.memory_space<vmem>> -> memref<512xf32, #tpu.memory_space<vmem>>
    tpu.wait_dma2 semaphore(%arg12 : memref<!tpu.dma_semaphore, #tpu.memory_space<semaphore_mem>>) src(%dma_wait3A_115 : memref<512xf32, #tpu.memory_space<vmem>>) dst(%dma_wait3A_113 : memref<512xf32, #tpu.memory_space<hbm>>)
    %dma_wait3A_116 = arith.constant 512 : i32
    %dma_wait3A_117 = tpu.memref_slice %arg9[%dma_wait3A_116] : memref<1024xf32, #tpu.memory_space<vmem>> -> memref<512xf32, #tpu.memory_space<vmem>>
    %dma_wait3A_118 = tpu.memref_slice %arg5[%add3A_103] : memref<16384xf32, #tpu.memory_space<hbm>> -> memref<512xf32, #tpu.memory_space<hbm>>
    %dma_wait3A_119 = tpu.memref_slice %arg5[%add3A_103] : memref<16384xf32, #tpu.memory_space<hbm>> -> memref<512xf32, #tpu.memory_space<hbm>>
    %dma_wait3A_120 = arith.constant 512 : i32
    %dma_wait3A_121 = tpu.memref_slice %arg9[%dma_wait3A_120] : memref<1024xf32, #tpu.memory_space<vmem>> -> memref<512xf32, #tpu.memory_space<vmem>>
    tpu.wait_dma2 semaphore(%arg12 : memref<!tpu.dma_semaphore, #tpu.memory_space<semaphore_mem>>) src(%dma_wait3A_121 : memref<512xf32, #tpu.memory_space<vmem>>) dst(%dma_wait3A_119 : memref<512xf32, #tpu.memory_space<hbm>>)
    return
  }
}

</mosaic_0001>

<sc_bundles>
// kernel: kernel.3.cloned.1.call-start
scs
__scs_entry_jumppad:
0x0: {  	(pc) =	sbr.rel $0x88, $3  }
0x1: {  	(tag) =	ssettag $0x0;
	lr =	simm.s32 $0x1  }
0x2: {  	[smem:$0x3F9E] =	sst lr;
	_ =	strace $0xD0000000  }
0x3: {  	_ = 	snop  }
0x4: {  	_ = 	snop  }
0x5: {  	_ = 	snop  }
0x6: {  	_ = 	snop  }
0x7: {  	_ = 	snop  }
__scs_overlays_trampoline_lowered:
0x8: {  	[smem:$0x3FAD] =	sst s0  }
0x9: {  	[smem:$0x3FAE] =	sst s1  }
0xa: {  	[smem:$0x3FAF] =	sst s2  }
0xb: {  	[smem:$0x3FB0] =	sst s3  }
0xc: {  	[smem:$0x3FB1] =	sst s4  }
0xd: {  	[smem:$0x3FB2] =	sst s5  }
0xe: {  	[smem:$0x3FB3] =	sst s6  }
0xf: {  	[smem:$0x3FB4] =	sst s7  }
0x10: {  	[smem:$0x3FB5] =	sst s8  }
0x11: {  	[smem:$0x3FB6] =	sst s9;
	s0 =	simm.s32 @!p0 $0x0  }
0x12: {  	s1 =	sld [smem:$0x3F9C];
	s0 =	simm.s32 @p0 $0x1  }
0x13: {  	[smem:$0x3FB7] =	sst s0;
	s0 =	simm.s32 @!p1 $0x0  }
0x14: {  	s2 =	sld [smem:$0x3F9B];
	s0 =	simm.s32 @p1 $0x1  }
0x15: {  	[smem:$0x3FB8] =	sst s0;
	s0 =	simm.s32 @!p2 $0x0  }
0x16: {  	s3 =	sld [smem:$0x3FDB];
	s0 =	simm.s32 @p2 $0x1  }
0x17: {  	s4 =	simm.s32 $0x1BF5;
	[smem:$0x3FBA] =	sst s0  }
0x18: {  	s0 =	sld [smem:$0x3F9D];
	_ =	swait.ge [sflag:s4], $0x0  }
0x19: {  	s7 =	sld [smem:$0x3F9E]  }
0x1a: {  	s8 =	sadd.s32 $0xFFFFE003, lr  }
0x1b: {  	s9 =	sadd.s32 $0xFFFFFEF7, lr;
	s5 =	simm.s32 $0xFFFFFFFF;
	p2 =	slt.u32 s8, $0xFFFFF086  }
0x1c: {  	p1 =	slt.u32 s9, $0xF7A;
	s5 =	simm.s32 @!p2 $0x0  }
0x1d: {  	s5 =	simm.s32 @p1 $0x1;
	p0 =	seq.s32 s7, s2  }
0x1e: {  	s7 =	smul.u32 @!p0 $0xF7A, s2;
	p2 =	seq.s32 @!p0 s5, $0x0  }
0x1f: {  	s9 =	smul.u32 $0xF7A, s1;
	s8 =	simm.s32 @!p0 $0x1BF5;
	p2 =	por !p2, p0  }
0x20: {  	[sflag:s8] =	ssyncset.s32 @!p0 $0xFFFFF086;
	s6 =	sadd.s32 @!p0 s3, s7;
	s7 =	simm.s32 @!p0 $0x108  }
0x21: {  	s3 =	sadd.s32 s3, s9;
	s6 =	sadd.s32 @!p0 $0x88, s6;
	s7 =	simm.s32 @p2 $0x1082  }
0x22: {  	[simem:s7], [sflag:s8] =	dma.local @!p0 [hbm:s6], $0xF7A  }
0x23: {  	s9 =	sor.u32 $0xD0000000, s2;
	s6 =	simm.s32 $0x108;
	_ =	swait.ge @!p0 [sflag:s8], $0x0  }
0x24: {  	s3 =	sadd.s32 $0x88, s3;
	s6 =	simm.s32 @!p1 $0x1082;
	[sflag:s4] =	ssyncset.s32 $0xFFFFF086  }
0x25: {  	[simem:s6], [sflag:s4] =	dma.local [hbm:s3], $0xF7A  }
0x26: {  	[smem:$0x3F9E] =	sst s1;
	(tag) =	ssettag s2;
	_ =	strace s9  }
0x27: {  	s1 =	sld [smem:$0x3FAE]  }
0x28: {  	s2 =	sld [smem:$0x3FAF]  }
0x29: {  	s4 =	sld [smem:$0x3FB1]  }
0x2a: {  	p0 =	seq.s32 s5, $0x0;
	s5 =	sld [smem:$0x3FB2]  }
0x2b: {  	s6 =	sld [smem:$0x3FB3]  }
0x2c: {  	s7 =	sld [smem:$0x3FB4]  }
0x2d: {  	s3 =	simm.s32 $0x108;
	s8 =	sld [smem:$0x3FB5]  }
0x2e: {  	s3 =	simm.s32 @!p0 $0x1082;
	s9 =	sld [smem:$0x3FB6]  }
0x2f: {  	lr =	sadd.s32 s0, s3;
	s0 =	sld [smem:$0x3FAD]  }
0x30: {  	s3 =	sld [smem:$0x3FB0]  }
0x31: {  	[smem:$0x3FB9] =	sst s10  }
0x32: {  	s10 =	sld [smem:$0x3FB7];
	_ =	sdelay $0x3  }
0x33: {  	p0 =	seq.s32 s10, $0x1;
	s10 =	sld [smem:$0x3FB9];
	_ =	sdelay $0x3  }
0x34: {  	[smem:$0x3FB9] =	sst s10  }
0x35: {  	s10 =	sld [smem:$0x3FB8];
	_ =	sdelay $0x3  }
0x36: {  	p1 =	seq.s32 s10, $0x1;
	s10 =	sld [smem:$0x3FB9];
	_ =	sdelay $0x3  }
0x37: {  	[smem:$0x3FB9] =	sst s10  }
0x38: {  	s10 =	sld [smem:$0x3FBA]  }
0x39: {  	_ = 	snop;
	(pc) =	sbr.ind lr, $3  }
0x3a: {  	_ = 	snop  }
0x3b: {  	_ = 	snop  }
0x3c: {  	p2 =	seq.s32 s10, $0x1;
	s10 =	sld [smem:$0x3FB9]  }
0x3d: {  	_ =	shalt  }
0x3e: {  	_ =	shalt  }
0x3f: {  	_ =	shalt  }
0x40: {  	_ =	shalt  }
0x41: {  	_ =	shalt  }
0x42: {  	_ =	shalt  }
0x43: {  	_ =	shalt  }
0x44: {  	_ =	shalt  }
0x45: {  	_ =	shalt  }
0x46: {  	_ =	shalt  }
0x47: {  	_ =	shalt  }
0x48: {  	_ =	shalt  }
0x49: {  	_ =	shalt  }
0x4a: {  	_ =	shalt  }
0x4b: {  	_ =	shalt  }
0x4c: {  	_ =	shalt  }
0x4d: {  	_ =	shalt  }
0x4e: {  	_ =	shalt  }
0x4f: {  	_ =	shalt  }
0x50: {  	_ =	shalt  }
0x51: {  	_ =	shalt  }
0x52: {  	_ =	shalt  }
0x53: {  	_ =	shalt  }
0x54: {  	_ =	shalt  }
0x55: {  	_ =	shalt  }
0x56: {  	_ =	shalt  }
0x57: {  	_ =	shalt  }
0x58: {  	_ =	shalt  }
0x59: {  	_ =	shalt  }
0x5a: {  	_ =	shalt  }
0x5b: {  	_ =	shalt  }
0x5c: {  	_ =	shalt  }
0x5d: {  	_ =	shalt  }
0x5e: {  	_ =	shalt  }
0x5f: {  	_ =	shalt  }
0x60: {  	_ =	shalt  }
0x61: {  	_ =	shalt  }
0x62: {  	_ =	shalt  }
0x63: {  	_ =	shalt  }
0x64: {  	_ =	shalt  }
0x65: {  	_ =	shalt  }
0x66: {  	_ =	shalt  }
0x67: {  	_ =	shalt  }
0x68: {  	_ =	shalt  }
0x69: {  	_ =	shalt  }
0x6a: {  	_ =	shalt  }
0x6b: {  	_ =	shalt  }
0x6c: {  	_ =	shalt  }
0x6d: {  	_ =	shalt  }
0x6e: {  	_ =	shalt  }
0x6f: {  	_ =	shalt  }
0x70: {  	_ =	shalt  }
0x71: {  	_ =	shalt  }
0x72: {  	_ =	shalt  }
0x73: {  	_ =	shalt  }
0x74: {  	_ =	shalt  }
0x75: {  	_ =	shalt  }
0x76: {  	_ =	shalt  }
0x77: {  	_ =	shalt  }
0x78: {  	_ =	shalt  }
0x79: {  	_ =	shalt  }
0x7a: {  	_ =	shalt  }
0x7b: {  	_ =	shalt  }
0x7c: {  	_ =	shalt  }
0x7d: {  	_ =	shalt  }
0x7e: {  	_ =	shalt  }
0x7f: {  	_ =	shalt  }
0x80: {  	_ =	shalt  }
0x81: {  	_ =	shalt  }
0x82: {  	_ =	shalt  }
0x83: {  	_ =	shalt  }
0x84: {  	_ =	shalt  }
0x85: {  	_ =	shalt  }
0x86: {  	_ =	shalt  }
0x87: {  	_ =	shalt  }
.Lfunc_end0:
.L_simem_size_0:
called_computation_lowered:
.L_overlay_start_0:
0x88: {  	s0 =	sld [smem:$0x3FD9]  }
0x89: {  	s1 =	sld [smem:$0x3FFE];
	_ =	sdelay $0x3  }
0x8a: {  	s0 =	sadd.s32 s1, s0  }
0x8b: {  	[smem:$0x3FC5] =	sst s0  }
0x8c: {  	_ = 	snop  }
0x8d: {  	s0 =	sld [smem:$0x3FC9]  }
0x8e: {  	s17 =	sld [smem:$0x3FC8]  }
0x8f: {  	s2 =	sld [smem:$0x3FC7]  }
0x90: {  	s3 =	sld [smem:$0x3FD0];
	(tm) =	ssettm $0x1  }
0x91: {  	s4 =	sld [smem:$0x3FFB];
	_ =	sdelay $0x3  }
0x92: {  	_ =	strace s4  }
0x93: {  	s4 =	sld [smem:$0x3FFC];
	_ =	sdelay $0x3  }
0x94: {  	_ =	strace s4  }
0x95: {  	s4 =	sld [smem:$0x3FFD];
	_ =	sdelay $0x3  }
0x96: {  	_ =	strace s4  }
0x97: {  	_ =	strace $0x8FFFFFFF  }
0x98: {  	s18 =	sld [smem:$0x3FDB];
	_ =	sdelay $0x1  }
0x99: {  	s5 =	simm.s32 $_scs_section_size  }
0x9a: {  	s6 =	simm.s32 $_size__tile_overlayer_lowered;
	s7 =	simm.s32 $_tile_overlayer_lowered  }
0x9b: {  	s21 =	simm.s32 $0x1BFF;
	s20 =	sshll.u32 s7, $0x1;
	s4 =	sadd.s32 s5, s18  }
0x9c: {  	s8 =	simm.s32 $0x0;
	s19 =	sshll.u32 s6, $0x1;
	s6 =	sadd.s32 s20, s4  }
0x9d: {  	[timem:s8], [sflag:s21] =	dma.local [hbm:s6], s19  }
0x9e: {  	_ =	swait.ge [sflag:s21], s19  }
0x9f: {  	s5 =	ssub.s32 $0x0, s19;
	[sflag:s21] =	ssyncset.done $0x0  }
0xa0: {  	[sflag:s21] =	ssyncadd.s32 s5;
	_ =	sdelay $0x1  }
0xa1: {  	s22 =	simm.s32 $0x1B8B  }
0xa2: {  	_ =	swait.ge [sflag:s22], $0x1  }
0xa3: {  	[sflag:s22] =	ssyncset.done $0x0  }
0xa4: {  	s23 =	simm.s32 $0x1B8E;
	[sflag:s22] =	ssyncadd.s32 $0xFFFFFFFF  }
0xa5: {  	s24 =	simm.s32 $execute0_lowered;
	[smem:$0x3FD2] =	sst s23  }
0xa6: {  	s5 =	sshll.u32 s24, $0x1;
	_ =	strace $0x80000046;
	[dreg:$0x1] =	wrdreg $0xFFFFFFFF  }
0xa7: {  	s25 =	simm.s32 $_size_execute0_lowered;
	s4 =	sadd.s32 s4, s5;
	[dreg:$0x0] =	wrdreg $0x0  }
0xa8: {  	s5 =	sshll.u32 s25, $0x1;
	[dreg:$0x2] =	wrdreg s4  }
0xa9: {  	[dreg:$0x3] =	wrdreg s5  }
0xaa: {  	[dreg:$0x4] =	wrdreg $0xC0  }
0xab: {  	_ =	task [dreg:s8], $0x5FFFF  }
0xac: {  	[dreg:$0x1] =	wrdreg $0xFFFFFFFF  }
0xad: {  	[dreg:$0x0] =	wrdreg $0x60  }
0xae: {  	[dreg:$0x2] =	wrdreg s0  }
0xaf: {  	[dreg:$0x3] =	wrdreg s17  }
0xb0: {  	[dreg:$0x4] =	wrdreg s2  }
0xb1: {  	[dreg:$0x5] =	wrdreg s3  }
0xb2: {  	[dreg:$0x6] =	wrdreg $0x9  }
0xb3: {  	_ =	task.clear_ibuf [dreg:s8], $0x7FFFF;
	_ =	strace $0x90000046  }
0xb4: {  	s26 =	simm.s32 $0x9;
	_ =	strace $0x80000048  }
0xb5: {  	_ =	swait.ge [sflag:s26], $0x1  }
0xb6: {  	[sflag:s26] =	ssyncadd.s32 $0xFFFFFFFF  }
0xb7: {  	_ =	strace $0x90000048  }
0xb8: {  	_ =	sfence  }
0xb9: {  	s28 =	sld [smem:$0x0];
	_ =	sdelay $0x1  }
0xba: {  	s29 =	srdreg.scid  }
0xbb: {  	s30 =	sshll.u32 s29, $0xD;
	s31 =	sshrl.u32 s29, $0x2  }
0xbc: {  	s1 =	sand.u32 $0x1, s29;
	s2 =	sand.u32 $0x4000, s30;
	s0 =	sadd.s32 s31, s28  }
0xbd: {  	s1 =	sor.u32 s2, s1;
	s0 =	sshll.u32 s0, $0x11  }
0xbe: {  	s0 =	sor.u32 s0, s1  }
0xbf: {  	s0 =	sadd.s32 $0x8F2B, s0  }
0xc0: {  	[sflag:s0] =	ssyncadd.remote.s32 $0x1  }
0xc1: {  	_ =	sfence.sel $0xFFFF  }
0xc2: {  	[dreg:$0x0] =	wrdreg $0xFFFFFFFF;
	(pc) =	sbr.abs _section_cstart, $3  }
0xc3: {  	[dreg:$0x1] =	wrdreg $0xFFFFFFFF  }
0xc4: {  	_ =	task.clear_ibuf [dreg:s8], $0x2FFFF;
	_ =	strace $0x9FFFFFFF  }
0xc5: {  	(tm) =	ssettm $0x7FFFFFFF  }
tec
execute0_lowered:
.L_overlay_start_1:
0x0: {  	(tag) =	ssettag $0x1  }
0x1: {  	s6 =	rddreg [dreg:$0x0]  }
0x2: {  	s7 =	rddreg [dreg:$0x1]  }
0x3: {  	s3 =	rddreg [dreg:$0x2]  }
0x4: {  	s2 =	rddreg [dreg:$0x3]  }
0x5: {  	s0 =	rddreg [dreg:$0x4];
	s8 =	simm.s32 $0x0  }
0x6: {  	s1 =	stileid.u32;
	[smem:$0x7FF] =	sst s8  }
0x7: {  	s5 =	simm.s32 $0x800;
	s4 =	sshll.u32 s1, $0x7;
	_ =	strace $0x80000047  }
0x8: {  	[tilespmem:s5], [sflag:$0x1] =	stream.linear.gather [hbm4b:s3+s8], $0x64, $0x38;
	[tilespmem:$0xC80] =	vst v63  }
0x9: {  	s23 =	sadd.s32 s6, s4  }
0xa: {  	[tilespmem:s8], [sflag:$0x1] =	stream.linear.gather [hbm4b:s23+s8], $0x200, $0x38;
	[tilespmem:$0xC80] =	vst v63  }
0xb: {  	s10 =	simm.s32 $0x400;
	s9 =	sadd.s32 s7, s4;
	s3 =	sor.u32 $0x40, s4  }
0xc: {  	[tilespmem:s10], [sflag:$0x1] =	stream.linear.gather [hbm4b:s9+s8], $0x200, $0x38;
	[tilespmem:$0xC80] =	vst v63  }
0xd: {  	s24 =	simm.s32 $0x200;
	s6 =	sadd.s32 s6, s3  }
0xe: {  	[tilespmem:s24], [sflag:$0x2] =	stream.linear.gather [hbm4b:s6+s8], $0x200, $0x38;
	[tilespmem:$0xC80] =	vst v63  }
0xf: {  	s26 =	simm.s32 $0x600;
	s28 =	simm.s32 $0x1;
	s25 =	sadd.s32 s7, s3  }
0x10: {  	[tilespmem:s26], [sflag:$0x2] =	stream.linear.gather [hbm4b:s25+s8], $0x200, $0x38;
	[tilespmem:$0xC80] =	vst v63  }
0x11: {  	_ =	swait.ge [sflag:s28], $0x64  }
0x12: {  	[sflag:s28] =	ssyncset.done $0x0  }
0x13: {  	[sflag:s28] =	ssyncadd.s32 $0xFFFFFF9C  }
0x14: {  	_ =	swait.ge [sflag:s28], $0x200  }
0x15: {  	[sflag:s28] =	ssyncset.done $0x0  }
0x16: {  	[sflag:s28] =	ssyncadd.s32 $0xFFFFFE00  }
0x17: {  	_ =	swait.ge [sflag:s28], $0x200  }
0x18: {  	[sflag:s28] =	ssyncset.done $0x0  }
0x19: {  	[sflag:s28] =	ssyncadd.s32 $0xFFFFFE00  }
0x1a: {  	v0 =	vld [tilespmem:$0x800]  }
0x1b: {  	v1 =	vld [tilespmem:$0x810]  }
0x1c: {  	v2 =	vld [tilespmem:$0x820]  }
0x1d: {  	v3 =	vld [tilespmem:$0x830]  }
0x1e: {  	v4 =	vld [tilespmem:$0x840]  }
0x1f: {  	v5 =	vld [tilespmem:$0x850];
	v0 =	vmax.f32 v0, $0.0e+00  }
0x20: {  	[tilespmem:$0x800] =	vst v0;
	v0 =	vmax.f32 v1, $0.0e+00;
	v1 =	vld [tilespmem:$0x860]  }
0x21: {  	[tilespmem:$0x810] =	vst v0;
	v0 =	vmax.f32 v2, $0.0e+00  }
0x22: {  	[tilespmem:$0x820] =	vst v0;
	v0 =	vmax.f32 v3, $0.0e+00  }
0x23: {  	[tilespmem:$0x830] =	vst v0;
	v0 =	vmax.f32 v4, $0.0e+00  }
0x24: {  	[tilespmem:$0x840] =	vst v0;
	v0 =	vmax.f32 v5, $0.0e+00  }
0x25: {  	[tilespmem:$0x850] =	vst v0;
	v0 =	vmax.f32 v1, $0.0e+00  }
0x26: {  	s29 =	simm.s32 $0x20;
	[tilespmem:$0x860] =	vst v0  }
0x27: {  	v0 =	vld [tilespmem:s29+$0x10]  }
0x28: {  	v1 =	vld [tilespmem:s29+$0xFFFFFFE0]  }
0x29: {  	v2 =	vld [tilespmem:s29+$0xFFFFFFF0];
	_ =	sdelay $0x2  }
0x2a: {  	s30 =	simm.s32 $0x420;
	v4 =	vld [tilespmem:s29+$0x0]  }
0x2b: {  	s31 =	simm.s32 $0x60;
	v7 =	vld [tilespmem:s30+$0x10]  }
0x2c: {  	v8 =	vld [tilespmem:s31+$0xFFFFFFE0]  }
0x2d: {  	v5 =	vld.idx.msk [tilespmem:v0+s5+$0x0], $0xffff  }
0x2e: {  	v0 =	vld.idx.msk [tilespmem:v1+s5+$0x0], $0xffff  }
0x2f: {  	v1 =	vld.idx.msk [tilespmem:v2+s5+$0x0], $0xffff  }
0x30: {  	v2 =	vld [tilespmem:s31+$0x10]  }
0x31: {  	v9 =	vld [tilespmem:s31+$0xFFFFFFF0]  }
0x32: {  	v3 =	vld [tilespmem:s31+$0x0]  }
0x33: {  	v11 =	vld [tilespmem:s30+$0xFFFFFFF0]  }
0x34: {  	v12 =	vld [tilespmem:s30+$0x0]  }
0x35: {  	v10 =	vld.idx.msk [tilespmem:v4+s5+$0x0], $0xffff  }
0x36: {  	s7 =	simm.s32 $0x460;
	v6 =	vld [tilespmem:s30+$0xFFFFFFE0]  }
0x37: {  	v7 =	vmul.f32 v5, v7;
	v5 =	vld [tilespmem:s7+$0x10]  }
0x38: {  	s6 =	simm.s32 $0x8A0;
	v4 =	vld.idx.msk [tilespmem:v2+s5+$0x0], $0xffff  }
0x39: {  	[tilespmem:s6+$0x10] =	vst v7;
	v7 =	vmul.f32 v1, v11;
	v1 =	vld.idx.msk [tilespmem:v9+s5+$0x0], $0xffff  }
0x3a: {  	s9 =	simm.s32 $0xA0;
	s8 =	simm.s32 $0x40;
	v2 =	vld.idx.msk [tilespmem:v8+s5+$0x0], $0xffff;
	v8 =	vmul.f32 v10, v12  }
.LBB2_1:
0x3b: {  	v9 =	vld [tilespmem:s9+$0x10];
	s8 =	sadd.s32 $0x40, s8;
	v0 =	vmul.f32 v0, v6;
	[tilespmem:s6+$0xFFFFFFF0] =	vst v7  }
0x3c: {  	v7 =	vld [tilespmem:s9+$0xFFFFFFE0];
	p0 =	slt.u32 s8, $0x1C0;
	[tilespmem:s6+$0x0] =	vst v8  }
0x3d: {  	v8 =	vld [tilespmem:s9+$0xFFFFFFF0];
	v4 =	vmul.f32 v4, v5;
	[tilespmem:s6+$0xFFFFFFE0] =	vst v0  }
0x3e: {  	s6 =	sadd.s32 $0x40, s6;
	v5 =	vld [tilespmem:s9+$0x0]  }
0x3f: {  	v10 =	vld.idx.msk [tilespmem:v3+s5+$0x0], $0xffff;
	[tilespmem:s6+$0x10] =	vst v4;
	v0 =	vmov v2  }
0x40: {  	v11 =	vld [tilespmem:s7+$0xFFFFFFF0]  }
0x41: {  	v12 =	vld [tilespmem:s7+$0x0]  }
.Ltmp0:
0x42: {  	v6 =	vld [tilespmem:s7+$0xFFFFFFE0];
	(pc) =	sbr.rel @p0 .LBB2_1-.Ltmp0, $4  }
0x43: {  	s7 =	sadd.s32 $0x40, s7;
	v4 =	vld.idx.msk [tilespmem:v9+s5+$0x0], $0xffff;
	v3 =	vmov v5  }
0x44: {  	v5 =	vld [tilespmem:s7+$0x10]  }
0x45: {  	v2 =	vld.idx.msk [tilespmem:v7+s5+$0x0], $0xffff;
	v7 =	vmul.f32 v1, v11  }
0x46: {  	s9 =	sadd.s32 $0x40, s9;
	v1 =	vld.idx.msk [tilespmem:v8+s5+$0x0], $0xffff;
	v8 =	vmul.f32 v10, v12  }
0x47: {  	_ =	sdelay $0x3  }
0x48: {  	v3 =	vld.idx.msk [tilespmem:v3+s5+$0x0], $0xffff  }
0x49: {  	v9 =	vld [tilespmem:s7+$0xFFFFFFF0]  }
0x4a: {  	v10 =	vld [tilespmem:s7+$0x0]  }
0x4b: {  	v11 =	vld [tilespmem:s7+$0xFFFFFFE0]  }
0x4c: {  	v0 =	vmul.f32 v0, v6;
	[tilespmem:s6+$0xFFFFFFF0] =	vst v7  }
0x4d: {  	[tilespmem:s6+$0x0] =	vst v8;
	v4 =	vmul.f32 v4, v5  }
0x4e: {  	s24 =	sadd.s32 $0x40, s6;
	[tilespmem:s6+$0xFFFFFFE0] =	vst v0;
	v0 =	vmul.f32 v1, v9  }
0x4f: {  	[tilespmem:s24+$0x10] =	vst v4;
	v1 =	vmul.f32 v3, v10  }
0x50: {  	v2 =	vmul.f32 v2, v11;
	[tilespmem:s24+$0xFFFFFFF0] =	vst v0  }
0x51: {  	s4 =	sadd.s32 s2, s4;
	[tilespmem:s24+$0x0] =	vst v1  }
0x52: {  	s25 =	simm.s32 $0x0;
	s26 =	simm.s32 $0x880;
	s28 =	simm.s32 $0x2;
	[tilespmem:s24+$0xFFFFFFE0] =	vst v2  }
0x53: {  	[hbm4b:s4+s25] =	stream.linear.scatter [tilespmem:s26], [sflag:$0x3], $0x200, $0x38;
	[tilespmem:$0xC80] =	vst v63  }
0x54: {  	_ =	swait.ge [sflag:s28], $0x200  }
0x55: {  	[sflag:s28] =	ssyncset.done $0x0  }
0x56: {  	[sflag:s28] =	ssyncadd.s32 $0xFFFFFE00  }
0x57: {  	_ =	swait.ge [sflag:s28], $0x200  }
0x58: {  	[sflag:s28] =	ssyncset.done $0x0  }
0x59: {  	s29 =	simm.s32 $0x230;
	[sflag:s28] =	ssyncadd.s32 $0xFFFFFE00  }
0x5a: {  	v0 =	vld [tilespmem:s29+$0x0]  }
0x5b: {  	v1 =	vld [tilespmem:s29+$0xFFFFFFD0]  }
0x5c: {  	v2 =	vld [tilespmem:s29+$0xFFFFFFE0];
	_ =	sdelay $0x2  }
0x5d: {  	s30 =	simm.s32 $0x630;
	v4 =	vld [tilespmem:s29+$0xFFFFFFF0]  }
0x5e: {  	s31 =	simm.s32 $0x270;
	v7 =	vld [tilespmem:s30+$0x0]  }
0x5f: {  	s4 =	simm.s32 $0x800;
	v8 =	vld [tilespmem:s31+$0xFFFFFFD0]  }
0x60: {  	v5 =	vld.idx.msk [tilespmem:v0+s4+$0x0], $0xffff  }
0x61: {  	v0 =	vld.idx.msk [tilespmem:v1+s4+$0x0], $0xffff  }
0x62: {  	v1 =	vld.idx.msk [tilespmem:v2+s4+$0x0], $0xffff  }
0x63: {  	v2 =	vld [tilespmem:s31+$0x0]  }
0x64: {  	v9 =	vld [tilespmem:s31+$0xFFFFFFE0]  }
0x65: {  	v3 =	vld [tilespmem:s31+$0xFFFFFFF0]  }
0x66: {  	v11 =	vld [tilespmem:s30+$0xFFFFFFE0]  }
0x67: {  	v12 =	vld [tilespmem:s30+$0xFFFFFFF0]  }
0x68: {  	v10 =	vld.idx.msk [tilespmem:v4+s4+$0x0], $0xffff  }
0x69: {  	s6 =	simm.s32 $0x670;
	v6 =	vld [tilespmem:s30+$0xFFFFFFD0]  }
0x6a: {  	v7 =	vmul.f32 v5, v7;
	v5 =	vld [tilespmem:s6+$0x0]  }
0x6b: {  	s5 =	simm.s32 $0xAB0;
	v4 =	vld.idx.msk [tilespmem:v2+s4+$0x0], $0xffff  }
0x6c: {  	[tilespmem:s5+$0x0] =	vst v7;
	v7 =	vmul.f32 v1, v11;
	v1 =	vld.idx.msk [tilespmem:v9+s4+$0x0], $0xffff  }
0x6d: {  	s7 =	simm.s32 $0x240;
	s8 =	simm.s32 $0x2B0;
	v2 =	vld.idx.msk [tilespmem:v8+s4+$0x0], $0xffff;
	v8 =	vmul.f32 v10, v12  }
.LBB2_3:
0x6e: {  	v9 =	vld [tilespmem:s8+$0x0];
	s7 =	sadd.s32 $0x40, s7;
	v0 =	vmul.f32 v0, v6;
	[tilespmem:s5+$0xFFFFFFE0] =	vst v7  }
0x6f: {  	v7 =	vld [tilespmem:s8+$0xFFFFFFD0];
	p0 =	slt.u32 s7, $0x3C0;
	[tilespmem:s5+$0xFFFFFFF0] =	vst v8  }
0x70: {  	v8 =	vld [tilespmem:s8+$0xFFFFFFE0];
	v4 =	vmul.f32 v4, v5;
	[tilespmem:s5+$0xFFFFFFD0] =	vst v0  }
0x71: {  	s5 =	sadd.s32 $0x40, s5;
	v5 =	vld [tilespmem:s8+$0xFFFFFFF0]  }
0x72: {  	v10 =	vld.idx.msk [tilespmem:v3+s4+$0x0], $0xffff;
	[tilespmem:s5+$0x0] =	vst v4;
	v0 =	vmov v2  }
0x73: {  	v11 =	vld [tilespmem:s6+$0xFFFFFFE0]  }
0x74: {  	v12 =	vld [tilespmem:s6+$0xFFFFFFF0]  }
.Ltmp1:
0x75: {  	v6 =	vld [tilespmem:s6+$0xFFFFFFD0];
	(pc) =	sbr.rel @p0 .LBB2_3-.Ltmp1, $4  }
0x76: {  	s6 =	sadd.s32 $0x40, s6;
	v4 =	vld.idx.msk [tilespmem:v9+s4+$0x0], $0xffff;
	v3 =	vmov v5  }
0x77: {  	v5 =	vld [tilespmem:s6+$0x0]  }
0x78: {  	v2 =	vld.idx.msk [tilespmem:v7+s4+$0x0], $0xffff;
	v7 =	vmul.f32 v1, v11  }
0x79: {  	s8 =	sadd.s32 $0x40, s8;
	v1 =	vld.idx.msk [tilespmem:v8+s4+$0x0], $0xffff;
	v8 =	vmul.f32 v10, v12  }
0x7a: {  	_ =	sdelay $0x3  }
0x7b: {  	v3 =	vld.idx.msk [tilespmem:v3+s4+$0x0], $0xffff  }
0x7c: {  	v9 =	vld [tilespmem:s6+$0xFFFFFFE0]  }
0x7d: {  	v10 =	vld [tilespmem:s6+$0xFFFFFFF0]  }
0x7e: {  	v11 =	vld [tilespmem:s6+$0xFFFFFFD0]  }
0x7f: {  	v0 =	vmul.f32 v0, v6;
	[tilespmem:s5+$0xFFFFFFE0] =	vst v7  }
0x80: {  	[tilespmem:s5+$0xFFFFFFF0] =	vst v8;
	v4 =	vmul.f32 v4, v5  }
0x81: {  	s28 =	sadd.s32 $0x40, s5;
	[tilespmem:s5+$0xFFFFFFD0] =	vst v0;
	v62 =	vmul.f32 v1, v9  }
0x82: {  	[tilespmem:s28+$0x0] =	vst v4;
	v63 =	vmul.f32 v3, v10  }
0x83: {  	v2 =	vmul.f32 v2, v11;
	[tilespmem:s28+$0xFFFFFFE0] =	vst v62  }
0x84: {  	s2 =	sadd.s32 s2, s3;
	[tilespmem:s28+$0xFFFFFFF0] =	vst v63  }
0x85: {  	s29 =	simm.s32 $0x0;
	s30 =	simm.s32 $0xA80;
	s31 =	simm.s32 $0x3;
	[tilespmem:s28+$0xFFFFFFD0] =	vst v2  }
0x86: {  	[hbm4b:s2+s29] =	stream.linear.scatter [tilespmem:s30], [sflag:$0x3], $0x200, $0x38;
	[tilespmem:$0xC80] =	vst v63  }
0x87: {  	_ =	swait.ge [sflag:s31], $0x200  }
0x88: {  	[sflag:s31] =	ssyncset.done $0x0  }
0x89: {  	[sflag:s31] =	ssyncadd.s32 $0xFFFFFE00  }
0x8a: {  	_ =	swait.ge [sflag:s31], $0x200  }
0x8b: {  	[sflag:s31] =	ssyncset.done $0x0  }
0x8c: {  	[sflag:s31] =	ssyncadd.s32 $0xFFFFFE00  }
0x8d: {  	_ =	sfence.sel $0x180000  }
0x8e: {  	[bflag:$0x0] =	sbarrier.arrive $0xFFFF  }
0x8f: {  	p0 =	sne.s32 s1, $0x0;
	_ =	strace $0x90000047  }
0x90: {  	s0 =	sadd.s32 @!p0 $0x100000, s0;
	[bflag:$0x2] =	sbarrier.arrive $0xFFFF  }
0x91: {  	[sflag:s0] =	ssyncadd.tile.s32 @!p0 $0x1;
	_ =	shalt  }
.Lfunc_end2:
_tile_overlayer_lowered:
.L_overlay_start_2:
0x92: {  	(tag) =	ssettag $0x2  }
0x93: {  	s0 =	rddreg [dreg:$0x0];
	s2 =	stileid.u32  }
0x94: {  	s1 =	rddreg [dreg:$0x1];
	p0 =	sne.s32 s2, $0x0  }
0x95: {  	s3 =	rddreg [dreg:$0x2];
	[bflag:$0x3] =	sbarrier.arrive $0xFFFF;
	s2 =	simm.s32 @!p0 $0x1C04  }
0x96: {  	[timem:s3], [sflag:s2] =	dma.local @!p0 [hbm:s0], s1  }
0x97: {  	s0 =	simm.s32 @!p0 $0x4  }
0x98: {  	_ =	swait.ge @!p0 [sflag:s0], s1  }
0x99: {  	s1 =	ssub.s32 @!p0 $0x0, s1;
	[sflag:s0] =	ssyncset.done @!p0 $0x0  }
0x9a: {  	[sflag:s0] =	ssyncadd.s32 @!p0 s1  }
0x9b: {  	[bflag:$0x3] =	sbarrier.arrive $0xFFFF  }
0x9c: {  	_ =	shalt  }

</sc_bundles>
